<compile_context>
chip_gen: v7x
topology: tpu7x:2x2x1
jax: 0.10.2.dev20260603
libtpu: 0.0.44.dev20260713+nightly
codegen_flags: <defaults>
</compile_context>

<pallas_src>
import functools

import jax
import jax.numpy as jnp
from jax import lax
from jax.experimental import pallas as pl
from jax.experimental.pallas import tpu as pltpu
from jax.experimental.pallas import tpu_sc as plsc

N_NODES = 10000
N_EDGES = 320000
D = 128

NC = 2
NS = 16
NW = NC * NS
EPW = N_EDGES // NW
CHUNK = 80
NCHUNK = EPW // CHUNK
H_PAD = 10240
RPT = H_PAD // NS
BLK = 1280

_mesh = plsc.VectorSubcoreMesh(core_axis_name="c", subcore_axis_name="s")


@functools.partial(
    pl.kernel,
    out_type=jax.ShapeDtypeStruct((NC, H_PAD, D), jnp.float32),
    mesh=_mesh,
    scratch_types=[
        pltpu.VMEM((NCHUNK, CHUNK), jnp.int32),
        pltpu.VMEM((NCHUNK, CHUNK), jnp.int32),
        pltpu.VMEM((CHUNK, D), jnp.float32),
        pltpu.VMEM_SHARED((H_PAD, D), jnp.float32),
        pltpu.SemaphoreType.DMA,
    ],
)
def _sc_gather_scatter(feature_hbm, src_hbm, dst_hbm, out_hbm,
                       src_v, dst_v, rows_v, acc_sh, sem):
    c = lax.axis_index("c")
    s = lax.axis_index("s")
    wid = s * NC + c

    pltpu.sync_copy(src_hbm.at[wid], src_v)
    pltpu.sync_copy(dst_hbm.at[wid], dst_v)

    zero = jnp.zeros((16,), jnp.float32)

    def zrow(i, _):
        for j in range(D // 16):
            rows_v[i, pl.ds(j * 16, 16)] = zero
        return ()

    lax.fori_loop(0, CHUNK, zrow, ())

    def zacc(i, _):
        pltpu.sync_copy(rows_v, acc_sh.at[pl.ds(s * RPT + i * CHUNK, CHUNK)])
        return ()

    lax.fori_loop(0, RPT // CHUNK, zacc, ())
    plsc.subcore_barrier()

    def body(g, _):
        pltpu.async_copy(feature_hbm.at[src_v.at[g]], rows_v, sem).wait()
        pltpu.sync_copy(rows_v, acc_sh.at[dst_v.at[g]], add=True)
        return ()

    lax.fori_loop(0, NCHUNK, body, ())
    plsc.subcore_barrier()

    pltpu.sync_copy(acc_sh.at[pl.ds(s * RPT, RPT)],
                    out_hbm.at[c, pl.ds(s * RPT, RPT)])


def _mm_body(p0_ref, p1_ref, w_ref, b_ref, o_ref):
    h = p0_ref[...] + p1_ref[...]
    o_ref[...] = (
        jnp.dot(h, w_ref[...], preferred_element_type=jnp.float32)
        + b_ref[...]
    )


_tc_matmul = pl.pallas_call(
    _mm_body,
    grid=(H_PAD // BLK,),
    in_specs=[
        pl.BlockSpec((BLK, D), lambda i: (i, 0)),
        pl.BlockSpec((BLK, D), lambda i: (i, 0)),
        pl.BlockSpec((D, D), lambda i: (0, 0)),
        pl.BlockSpec((1, D), lambda i: (0, 0)),
    ],
    out_specs=pl.BlockSpec((BLK, D), lambda i: (i, 0)),
    out_shape=jax.ShapeDtypeStruct((H_PAD, D), jnp.float32),
)


def kernel(feature, edge_index, W, b):
    src = edge_index[0].astype(jnp.int32).reshape(NW, NCHUNK, CHUNK)
    dst = edge_index[1].astype(jnp.int32).reshape(NW, NCHUNK, CHUNK)
    partials = _sc_gather_scatter(feature, src, dst)
    out = _tc_matmul(partials[0], partials[1], W, b.reshape(1, D))
    return out[:N_NODES]

# --- scband reference (transcript-rebuilt; emitter-appended) ---
"""Pipeline reference for scband-gcnlayer-35192962023616 (READ-ONLY COPY).

The authoritative reference and input builder live on the scoring server;
editing this copy changes nothing except your own understanding.
"""

import jax, jax.numpy as jnp
import numpy as np

N_NODES = 10000
N_EDGES = 320000
D_IN = 128
D_OUT = 128

def setup_inputs(seed: int = 0) -> dict:
    key = jax.random.key(seed)
    k1, k2, k3, k4 = jax.random.split(key, 4)
    feature = jax.random.normal(k1, (N_NODES, D_IN), dtype=jnp.float32)
    edge_index = jax.random.randint(k2, (2, N_EDGES), 0, N_NODES, dtype=jnp.int64)
    # Linear layer params (keras Dense: units=out_feats, glorot-uniform weight + zero bias)
    limit = float(np.sqrt(6.0 / (D_IN + D_OUT)))
    W = jax.random.uniform(k3, (D_IN, D_OUT), minval=-limit, maxval=limit, dtype=jnp.float32)
    b = jnp.zeros((D_OUT,), dtype=jnp.float32)
    return {"feature": feature, "edge_index": edge_index, "W": W, "b": b}

def reference(feature, edge_index, W, b):
    # DGL GCNLayer: copy_src('h','m') + sum('m','h') == scatter-add of src features onto dst nodes,
    # followed by a dense linear layer.
    src = edge_index[0]
    dst = edge_index[1]
    msgs = jnp.take(feature, src, axis=0)                      # gather: copy_src
    h = jnp.zeros((feature.shape[0], feature.shape[1]), dtype=feature.dtype).at[dst].add(msgs)  # scatter-add: sum reduce
    out = h @ W + b                                            # Dense(units=out_feats)
    return out

if __name__ == "__main__":
    import jax
    _d = setup_inputs()
    print(jax.jit(kernel)(*tuple(_d.values())))

</pallas_src>

<mosaic_0001>
#map = affine_map<(d0, d1) -> (0, 0)>
#map1 = affine_map<(d0, d1) -> (0, 0, 0)>
module attributes {stable_mosaic.version = 14 : i64} {
  func.func @_sc_gather_scatter(%arg0: i32, %arg1: i32, %arg2: memref<10000x128xf32, #tpu.memory_space<hbm>>, %arg3: memref<32x125x80xi32, #tpu.memory_space<hbm>>, %arg4: memref<32x125x80xi32, #tpu.memory_space<hbm>>, %arg5: memref<2x10240x128xf32, #tpu.memory_space<hbm>>, %arg6: memref<125x80xi32, #tpu.memory_space<vmem>>, %arg7: memref<125x80xi32, #tpu.memory_space<vmem>>, %arg8: memref<80x128xf32, #tpu.memory_space<vmem>>, %arg9: memref<10240x128xf32, #tpu.memory_space<vmem_shared>>, %arg10: memref<!tpu.dma_semaphore, #tpu.memory_space<semaphore_mem>>) attributes {dimension_semantics = [#tpu.dimension_semantics<core_parallel>, #tpu.dimension_semantics<subcore_parallel>], iteration_bounds = array<i64: 2, 16>, scalar_prefetch = 0 : i64, scratch_operands = 5 : i64, tpu.core_type = #tpu.core_type<sc_vector_subcore>, window_params = [{transform_indices = #map}, {transform_indices = #map1}, {transform_indices = #map1}, {transform_indices = #map1}]} {
    %mul3A = arith.constant 2 : i32
    %mul3A_0 = arith.muli %arg1, %mul3A : i32
    %add3A = arith.addi %mul3A_0, %arg0 : i32
    "tpu.region"() ({
      %run_scoped3A = tpu.sem_alloc : memref<!tpu.dma_semaphore, #tpu.memory_space<semaphore_mem>>
      %dma_start3A = arith.constant 0 : i32
      %dma_start3A_21 = arith.constant 0 : i32
      %dma_start3A_22 = tpu.memref_slice %arg3[%add3A, %dma_start3A, %dma_start3A_21] : memref<32x125x80xi32, #tpu.memory_space<hbm>> -> memref<1x125x80xi32, #tpu.memory_space<hbm>>
      %dma_start3A_23 = tpu.memref_squeeze %dma_start3A_22 : memref<1x125x80xi32, #tpu.memory_space<hbm>> -> memref<125x80xi32, #tpu.memory_space<hbm>>
      %dma_start3A_24 = arith.constant 0 : i32
      %dma_start3A_25 = arith.constant 0 : i32
      %dma_start3A_26 = tpu.memref_slice %arg3[%add3A, %dma_start3A_24, %dma_start3A_25] : memref<32x125x80xi32, #tpu.memory_space<hbm>> -> memref<1x125x80xi32, #tpu.memory_space<hbm>>
      %dma_start3A_27 = tpu.memref_squeeze %dma_start3A_26 : memref<1x125x80xi32, #tpu.memory_space<hbm>> -> memref<125x80xi32, #tpu.memory_space<hbm>>
      tpu.enqueue_dma source(%dma_start3A_27 : memref<125x80xi32, #tpu.memory_space<hbm>>) target(%arg6 : memref<125x80xi32, #tpu.memory_space<vmem>>) target_semaphore(%run_scoped3A : memref<!tpu.dma_semaphore, #tpu.memory_space<semaphore_mem>>)
      %dma_wait3A = arith.constant 0 : i32
      %dma_wait3A_28 = arith.constant 0 : i32
      %dma_wait3A_29 = tpu.memref_slice %arg3[%add3A, %dma_wait3A, %dma_wait3A_28] : memref<32x125x80xi32, #tpu.memory_space<hbm>> -> memref<1x125x80xi32, #tpu.memory_space<hbm>>
      %dma_wait3A_30 = tpu.memref_squeeze %dma_wait3A_29 : memref<1x125x80xi32, #tpu.memory_space<hbm>> -> memref<125x80xi32, #tpu.memory_space<hbm>>
      %dma_wait3A_31 = arith.constant 0 : i32
      %dma_wait3A_32 = arith.constant 0 : i32
      %dma_wait3A_33 = tpu.memref_slice %arg3[%add3A, %dma_wait3A_31, %dma_wait3A_32] : memref<32x125x80xi32, #tpu.memory_space<hbm>> -> memref<1x125x80xi32, #tpu.memory_space<hbm>>
      %dma_wait3A_34 = tpu.memref_squeeze %dma_wait3A_33 : memref<1x125x80xi32, #tpu.memory_space<hbm>> -> memref<125x80xi32, #tpu.memory_space<hbm>>
      tpu.wait_dma2 semaphore(%run_scoped3A : memref<!tpu.dma_semaphore, #tpu.memory_space<semaphore_mem>>) src(%dma_wait3A_34 : memref<125x80xi32, #tpu.memory_space<hbm>>) dst(%arg6 : memref<125x80xi32, #tpu.memory_space<vmem>>)
      tpu.yield
    }) : () -> ()
    "tpu.region"() ({
      %run_scoped3A = tpu.sem_alloc : memref<!tpu.dma_semaphore, #tpu.memory_space<semaphore_mem>>
      %dma_start3A = arith.constant 0 : i32
      %dma_start3A_21 = arith.constant 0 : i32
      %dma_start3A_22 = tpu.memref_slice %arg4[%add3A, %dma_start3A, %dma_start3A_21] : memref<32x125x80xi32, #tpu.memory_space<hbm>> -> memref<1x125x80xi32, #tpu.memory_space<hbm>>
      %dma_start3A_23 = tpu.memref_squeeze %dma_start3A_22 : memref<1x125x80xi32, #tpu.memory_space<hbm>> -> memref<125x80xi32, #tpu.memory_space<hbm>>
      %dma_start3A_24 = arith.constant 0 : i32
      %dma_start3A_25 = arith.constant 0 : i32
      %dma_start3A_26 = tpu.memref_slice %arg4[%add3A, %dma_start3A_24, %dma_start3A_25] : memref<32x125x80xi32, #tpu.memory_space<hbm>> -> memref<1x125x80xi32, #tpu.memory_space<hbm>>
      %dma_start3A_27 = tpu.memref_squeeze %dma_start3A_26 : memref<1x125x80xi32, #tpu.memory_space<hbm>> -> memref<125x80xi32, #tpu.memory_space<hbm>>
      tpu.enqueue_dma source(%dma_start3A_27 : memref<125x80xi32, #tpu.memory_space<hbm>>) target(%arg7 : memref<125x80xi32, #tpu.memory_space<vmem>>) target_semaphore(%run_scoped3A : memref<!tpu.dma_semaphore, #tpu.memory_space<semaphore_mem>>)
      %dma_wait3A = arith.constant 0 : i32
      %dma_wait3A_28 = arith.constant 0 : i32
      %dma_wait3A_29 = tpu.memref_slice %arg4[%add3A, %dma_wait3A, %dma_wait3A_28] : memref<32x125x80xi32, #tpu.memory_space<hbm>> -> memref<1x125x80xi32, #tpu.memory_space<hbm>>
      %dma_wait3A_30 = tpu.memref_squeeze %dma_wait3A_29 : memref<1x125x80xi32, #tpu.memory_space<hbm>> -> memref<125x80xi32, #tpu.memory_space<hbm>>
      %dma_wait3A_31 = arith.constant 0 : i32
      %dma_wait3A_32 = arith.constant 0 : i32
      %dma_wait3A_33 = tpu.memref_slice %arg4[%add3A, %dma_wait3A_31, %dma_wait3A_32] : memref<32x125x80xi32, #tpu.memory_space<hbm>> -> memref<1x125x80xi32, #tpu.memory_space<hbm>>
      %dma_wait3A_34 = tpu.memref_squeeze %dma_wait3A_33 : memref<1x125x80xi32, #tpu.memory_space<hbm>> -> memref<125x80xi32, #tpu.memory_space<hbm>>
      tpu.wait_dma2 semaphore(%run_scoped3A : memref<!tpu.dma_semaphore, #tpu.memory_space<semaphore_mem>>) src(%dma_wait3A_34 : memref<125x80xi32, #tpu.memory_space<hbm>>) dst(%arg7 : memref<125x80xi32, #tpu.memory_space<vmem>>)
      tpu.yield
    }) : () -> ()
    %broadcast_in_dim3A = arith.constant 0.000000e+00 : f32
    %broadcast_in_dim3A_1 = vector.broadcast %broadcast_in_dim3A : f32 to vector<16xf32>
    %scan3A = arith.constant 0 : i32
    %scan3A_2 = arith.constant 80 : i32
    %scan3A_3 = arith.addi %scan3A, %scan3A_2 : i32
    %scan3A_4 = arith.constant 1 : i32
    scf.for %scan3A_21 = %scan3A to %scan3A_3 step %scan3A_4  : i32 {
      %swap3A = arith.index_cast %scan3A_21 : i32 to index
      %swap3A_22 = arith.constant 0 : index
      %swap3A_23 = tpu.vector_load %arg8[%swap3A, %swap3A_22] {strides = array<i32>} : memref<80x128xf32, #tpu.memory_space<vmem>>, vector<1x16xf32>,
      %swap3A_24 = vector.shape_cast %swap3A_23 : vector<1x16xf32> to vector<16xf32>
      %swap3A_25 = vector.shape_cast %broadcast_in_dim3A_1 : vector<16xf32> to vector<1x16xf32>
      tpu.vector_store %arg8[%swap3A, %swap3A_22], %swap3A_25 {strides = array<i32>} : memref<80x128xf32, #tpu.memory_space<vmem>>, vector<1x16xf32>,
      %swap3A_26 = arith.index_cast %scan3A_21 : i32 to index
      %swap3A_27 = arith.constant 16 : index
      %swap3A_28 = tpu.vector_load %arg8[%swap3A_26, %swap3A_27] {strides = array<i32>} : memref<80x128xf32, #tpu.memory_space<vmem>>, vector<1x16xf32>,
      %swap3A_29 = vector.shape_cast %swap3A_28 : vector<1x16xf32> to vector<16xf32>
      %swap3A_30 = vector.shape_cast %broadcast_in_dim3A_1 : vector<16xf32> to vector<1x16xf32>
      tpu.vector_store %arg8[%swap3A_26, %swap3A_27], %swap3A_30 {strides = array<i32>} : memref<80x128xf32, #tpu.memory_space<vmem>>, vector<1x16xf32>,
      %swap3A_31 = arith.index_cast %scan3A_21 : i32 to index
      %swap3A_32 = arith.constant 32 : index
      %swap3A_33 = tpu.vector_load %arg8[%swap3A_31, %swap3A_32] {strides = array<i32>} : memref<80x128xf32, #tpu.memory_space<vmem>>, vector<1x16xf32>,
      %swap3A_34 = vector.shape_cast %swap3A_33 : vector<1x16xf32> to vector<16xf32>
      %swap3A_35 = vector.shape_cast %broadcast_in_dim3A_1 : vector<16xf32> to vector<1x16xf32>
      tpu.vector_store %arg8[%swap3A_31, %swap3A_32], %swap3A_35 {strides = array<i32>} : memref<80x128xf32, #tpu.memory_space<vmem>>, vector<1x16xf32>,
      %swap3A_36 = arith.index_cast %scan3A_21 : i32 to index
      %swap3A_37 = arith.constant 48 : index
      %swap3A_38 = tpu.vector_load %arg8[%swap3A_36, %swap3A_37] {strides = array<i32>} : memref<80x128xf32, #tpu.memory_space<vmem>>, vector<1x16xf32>,
      %swap3A_39 = vector.shape_cast %swap3A_38 : vector<1x16xf32> to vector<16xf32>
      %swap3A_40 = vector.shape_cast %broadcast_in_dim3A_1 : vector<16xf32> to vector<1x16xf32>
      tpu.vector_store %arg8[%swap3A_36, %swap3A_37], %swap3A_40 {strides = array<i32>} : memref<80x128xf32, #tpu.memory_space<vmem>>, vector<1x16xf32>,
      %swap3A_41 = arith.index_cast %scan3A_21 : i32 to index
      %swap3A_42 = arith.constant 64 : index
      %swap3A_43 = tpu.vector_load %arg8[%swap3A_41, %swap3A_42] {strides = array<i32>} : memref<80x128xf32, #tpu.memory_space<vmem>>, vector<1x16xf32>,
      %swap3A_44 = vector.shape_cast %swap3A_43 : vector<1x16xf32> to vector<16xf32>
      %swap3A_45 = vector.shape_cast %broadcast_in_dim3A_1 : vector<16xf32> to vector<1x16xf32>
      tpu.vector_store %arg8[%swap3A_41, %swap3A_42], %swap3A_45 {strides = array<i32>} : memref<80x128xf32, #tpu.memory_space<vmem>>, vector<1x16xf32>,
      %swap3A_46 = arith.index_cast %scan3A_21 : i32 to index
      %swap3A_47 = arith.constant 80 : index
      %swap3A_48 = tpu.vector_load %arg8[%swap3A_46, %swap3A_47] {strides = array<i32>} : memref<80x128xf32, #tpu.memory_space<vmem>>, vector<1x16xf32>,
      %swap3A_49 = vector.shape_cast %swap3A_48 : vector<1x16xf32> to vector<16xf32>
      %swap3A_50 = vector.shape_cast %broadcast_in_dim3A_1 : vector<16xf32> to vector<1x16xf32>
      tpu.vector_store %arg8[%swap3A_46, %swap3A_47], %swap3A_50 {strides = array<i32>} : memref<80x128xf32, #tpu.memory_space<vmem>>, vector<1x16xf32>,
      %swap3A_51 = arith.index_cast %scan3A_21 : i32 to index
      %swap3A_52 = arith.constant 96 : index
      %swap3A_53 = tpu.vector_load %arg8[%swap3A_51, %swap3A_52] {strides = array<i32>} : memref<80x128xf32, #tpu.memory_space<vmem>>, vector<1x16xf32>,
      %swap3A_54 = vector.shape_cast %swap3A_53 : vector<1x16xf32> to vector<16xf32>
      %swap3A_55 = vector.shape_cast %broadcast_in_dim3A_1 : vector<16xf32> to vector<1x16xf32>
      tpu.vector_store %arg8[%swap3A_51, %swap3A_52], %swap3A_55 {strides = array<i32>} : memref<80x128xf32, #tpu.memory_space<vmem>>, vector<1x16xf32>,
      %swap3A_56 = arith.index_cast %scan3A_21 : i32 to index
      %swap3A_57 = arith.constant 112 : index
      %swap3A_58 = tpu.vector_load %arg8[%swap3A_56, %swap3A_57] {strides = array<i32>} : memref<80x128xf32, #tpu.memory_space<vmem>>, vector<1x16xf32>,
      %swap3A_59 = vector.shape_cast %swap3A_58 : vector<1x16xf32> to vector<16xf32>
      %swap3A_60 = vector.shape_cast %broadcast_in_dim3A_1 : vector<16xf32> to vector<1x16xf32>
      tpu.vector_store %arg8[%swap3A_56, %swap3A_57], %swap3A_60 {strides = array<i32>} : memref<80x128xf32, #tpu.memory_space<vmem>>, vector<1x16xf32>,
    }
    %scan3A_5 = arith.constant 80 : i32
    %scan3A_6 = arith.constant 0 : i32
    %scan3A_7 = arith.constant 8 : i32
    %scan3A_8 = arith.addi %scan3A_6, %scan3A_7 : i32
    %scan3A_9 = arith.constant 1 : i32
    scf.for %scan3A_21 = %scan3A_6 to %scan3A_8 step %scan3A_9  : i32 {
      %mul3A_22 = arith.constant 640 : i32
      %mul3A_23 = arith.muli %arg1, %mul3A_22 : i32
      %mul3A_24 = arith.constant 80 : i32
      %mul3A_25 = arith.muli %scan3A_21, %mul3A_24 : i32
      %add3A_26 = arith.addi %mul3A_23, %mul3A_25 : i32
      "tpu.region"() ({
        %run_scoped3A = tpu.sem_alloc : memref<!tpu.dma_semaphore, #tpu.memory_space<semaphore_mem>>
        %dma_start3A = arith.constant 0 : i32
        %dma_start3A_27 = tpu.memref_slice %arg9[%add3A_26, %dma_start3A] : memref<10240x128xf32, #tpu.memory_space<vmem_shared>> -> memref<80x128xf32, #tpu.memory_space<vmem_shared>>
        %dma_start3A_28 = arith.constant 0 : i32
        %dma_start3A_29 = tpu.memref_slice %arg9[%add3A_26, %dma_start3A_28] : memref<10240x128xf32, #tpu.memory_space<vmem_shared>> -> memref<80x128xf32, #tpu.memory_space<vmem_shared>>
        tpu.enqueue_dma source(%arg8 : memref<80x128xf32, #tpu.memory_space<vmem>>) target(%dma_start3A_29 : memref<80x128xf32, #tpu.memory_space<vmem_shared>>) target_semaphore(%run_scoped3A : memref<!tpu.dma_semaphore, #tpu.memory_space<semaphore_mem>>)
        %dma_wait3A = arith.constant 0 : i32
        %dma_wait3A_30 = tpu.memref_slice %arg9[%add3A_26, %dma_wait3A] : memref<10240x128xf32, #tpu.memory_space<vmem_shared>> -> memref<80x128xf32, #tpu.memory_space<vmem_shared>>
        %dma_wait3A_31 = arith.constant 0 : i32
        %dma_wait3A_32 = tpu.memref_slice %arg9[%add3A_26, %dma_wait3A_31] : memref<10240x128xf32, #tpu.memory_space<vmem_shared>> -> memref<80x128xf32, #tpu.memory_space<vmem_shared>>
        tpu.wait_dma2 semaphore(%run_scoped3A : memref<!tpu.dma_semaphore, #tpu.memory_space<semaphore_mem>>) src(%arg8 : memref<80x128xf32, #tpu.memory_space<vmem>>) dst(%dma_wait3A_32 : memref<80x128xf32, #tpu.memory_space<vmem_shared>>)
        tpu.yield
      }) : () -> ()
    }
    %scan3A_10 = arith.constant 8 : i32
    %barrier3A = arith.constant 0 : index
    tpu.barrier barrier_id(%barrier3A)
    %scan3A_11 = arith.constant 0 : i32
    %scan3A_12 = arith.constant 125 : i32
    %scan3A_13 = arith.addi %scan3A_11, %scan3A_12 : i32
    %scan3A_14 = arith.constant 1 : i32
    scf.for %scan3A_21 = %scan3A_11 to %scan3A_13 step %scan3A_14  : i32 {
      %dma_start3A = arith.constant 0 : i32
      %dma_start3A_22 = tpu.memref_slice %arg6[%scan3A_21, %dma_start3A] : memref<125x80xi32, #tpu.memory_space<vmem>> -> memref<1x80xi32, #tpu.memory_space<vmem>>
      %dma_start3A_23 = tpu.memref_squeeze %dma_start3A_22 : memref<1x80xi32, #tpu.memory_space<vmem>> -> memref<80xi32, #tpu.memory_space<vmem>>
      %dma_start3A_24 = arith.constant 0 : i32
      %dma_start3A_25 = arith.constant 0 : i32
      %dma_start3A_26 = tpu.memref_slice %arg2[%dma_start3A_24, %dma_start3A_25] : memref<10000x128xf32, #tpu.memory_space<hbm>> -> memref<10000x128xf32, #tpu.memory_space<hbm>>
      tpu.enqueue_indirect_dma source(%dma_start3A_26 : memref<10000x128xf32, #tpu.memory_space<hbm>>) target(%arg8 : memref<80x128xf32, #tpu.memory_space<vmem>>) offsets(%dma_start3A_23 : memref<80xi32, #tpu.memory_space<vmem>>) semaphore(%arg10 : memref<!tpu.dma_semaphore, #tpu.memory_space<semaphore_mem>>)
      %dma_wait3A = arith.constant 0 : i32
      %dma_wait3A_27 = tpu.memref_slice %arg6[%scan3A_21, %dma_wait3A] : memref<125x80xi32, #tpu.memory_space<vmem>> -> memref<1x80xi32, #tpu.memory_space<vmem>>
      %dma_wait3A_28 = tpu.memref_squeeze %dma_wait3A_27 : memref<1x80xi32, #tpu.memory_space<vmem>> -> memref<80xi32, #tpu.memory_space<vmem>>
      %dma_wait3A_29 = arith.constant 0 : i32
      %dma_wait3A_30 = arith.constant 0 : i32
      %dma_wait3A_31 = tpu.memref_slice %arg2[%dma_wait3A_29, %dma_wait3A_30] : memref<10000x128xf32, #tpu.memory_space<hbm>> -> memref<10000x128xf32, #tpu.memory_space<hbm>>
      tpu.wait_indirect_dma semaphore(%arg10 : memref<!tpu.dma_semaphore, #tpu.memory_space<semaphore_mem>>) src(%dma_wait3A_31 : memref<10000x128xf32, #tpu.memory_space<hbm>>) dst(%arg8 : memref<80x128xf32, #tpu.memory_space<vmem>>)
      "tpu.region"() ({
        %run_scoped3A = tpu.sem_alloc : memref<!tpu.dma_semaphore, #tpu.memory_space<semaphore_mem>>
        %dma_start3A_32 = arith.constant 0 : i32
        %dma_start3A_33 = tpu.memref_slice %arg7[%scan3A_21, %dma_start3A_32] : memref<125x80xi32, #tpu.memory_space<vmem>> -> memref<1x80xi32, #tpu.memory_space<vmem>>
        %dma_start3A_34 = tpu.memref_squeeze %dma_start3A_33 : memref<1x80xi32, #tpu.memory_space<vmem>> -> memref<80xi32, #tpu.memory_space<vmem>>
        %dma_start3A_35 = arith.constant 0 : i32
        %dma_start3A_36 = arith.constant 0 : i32
        %dma_start3A_37 = tpu.memref_slice %arg9[%dma_start3A_35, %dma_start3A_36] : memref<10240x128xf32, #tpu.memory_space<vmem_shared>> -> memref<10240x128xf32, #tpu.memory_space<vmem_shared>>
        tpu.enqueue_indirect_dma source(%arg8 : memref<80x128xf32, #tpu.memory_space<vmem>>) target(%dma_start3A_37 : memref<10240x128xf32, #tpu.memory_space<vmem_shared>>) offsets(%dma_start3A_34 : memref<80xi32, #tpu.memory_space<vmem>>) semaphore(%run_scoped3A : memref<!tpu.dma_semaphore, #tpu.memory_space<semaphore_mem>>) {add = true}
        %dma_wait3A_38 = arith.constant 0 : i32
        %dma_wait3A_39 = tpu.memref_slice %arg7[%scan3A_21, %dma_wait3A_38] : memref<125x80xi32, #tpu.memory_space<vmem>> -> memref<1x80xi32, #tpu.memory_space<vmem>>
        %dma_wait3A_40 = tpu.memref_squeeze %dma_wait3A_39 : memref<1x80xi32, #tpu.memory_space<vmem>> -> memref<80xi32, #tpu.memory_space<vmem>>
        %dma_wait3A_41 = arith.constant 0 : i32
        %dma_wait3A_42 = arith.constant 0 : i32
        %dma_wait3A_43 = tpu.memref_slice %arg9[%dma_wait3A_41, %dma_wait3A_42] : memref<10240x128xf32, #tpu.memory_space<vmem_shared>> -> memref<10240x128xf32, #tpu.memory_space<vmem_shared>>
        tpu.wait_indirect_dma semaphore(%run_scoped3A : memref<!tpu.dma_semaphore, #tpu.memory_space<semaphore_mem>>) src(%arg8 : memref<80x128xf32, #tpu.memory_space<vmem>>) dst(%dma_wait3A_43 : memref<10240x128xf32, #tpu.memory_space<vmem_shared>>)
        tpu.yield
      }) : () -> ()
    }
    %scan3A_15 = arith.constant 125 : i32
    %barrier3A_16 = arith.constant 0 : index
    tpu.barrier barrier_id(%barrier3A_16)
    %mul3A_17 = arith.constant 640 : i32
    %mul3A_18 = arith.muli %arg1, %mul3A_17 : i32
    %mul3A_19 = arith.constant 640 : i32
    %mul3A_20 = arith.muli %arg1, %mul3A_19 : i32
    "tpu.region"() ({
      %run_scoped3A = tpu.sem_alloc : memref<!tpu.dma_semaphore, #tpu.memory_space<semaphore_mem>>
      %dma_start3A = arith.constant 0 : i32
      %dma_start3A_21 = tpu.memref_slice %arg5[%arg0, %mul3A_20, %dma_start3A] : memref<2x10240x128xf32, #tpu.memory_space<hbm>> -> memref<1x640x128xf32, #tpu.memory_space<hbm>>
      %dma_start3A_22 = tpu.memref_squeeze %dma_start3A_21 : memref<1x640x128xf32, #tpu.memory_space<hbm>> -> memref<640x128xf32, #tpu.memory_space<hbm>>
      %dma_start3A_23 = arith.constant 0 : i32
      %dma_start3A_24 = tpu.memref_slice %arg9[%mul3A_18, %dma_start3A_23] : memref<10240x128xf32, #tpu.memory_space<vmem_shared>> -> memref<640x128xf32, #tpu.memory_space<vmem_shared>>
      tpu.enqueue_dma source(%dma_start3A_24 : memref<640x128xf32, #tpu.memory_space<vmem_shared>>) target(%dma_start3A_22 : memref<640x128xf32, #tpu.memory_space<hbm>>) target_semaphore(%run_scoped3A : memref<!tpu.dma_semaphore, #tpu.memory_space<semaphore_mem>>)
      %dma_wait3A = arith.constant 0 : i32
      %dma_wait3A_25 = tpu.memref_slice %arg5[%arg0, %mul3A_20, %dma_wait3A] : memref<2x10240x128xf32, #tpu.memory_space<hbm>> -> memref<1x640x128xf32, #tpu.memory_space<hbm>>
      %dma_wait3A_26 = tpu.memref_squeeze %dma_wait3A_25 : memref<1x640x128xf32, #tpu.memory_space<hbm>> -> memref<640x128xf32, #tpu.memory_space<hbm>>
      %dma_wait3A_27 = arith.constant 0 : i32
      %dma_wait3A_28 = tpu.memref_slice %arg9[%mul3A_18, %dma_wait3A_27] : memref<10240x128xf32, #tpu.memory_space<vmem_shared>> -> memref<640x128xf32, #tpu.memory_space<vmem_shared>>
      tpu.wait_dma2 semaphore(%run_scoped3A : memref<!tpu.dma_semaphore, #tpu.memory_space<semaphore_mem>>) src(%dma_wait3A_28 : memref<640x128xf32, #tpu.memory_space<vmem_shared>>) dst(%dma_wait3A_26 : memref<640x128xf32, #tpu.memory_space<hbm>>)
      tpu.yield
    }) : () -> ()
    return
  }
}

module attributes {stable_mosaic.version = 14 : i64} {
  func.func @_mm_body(%arg0: i32, %arg1: memref<1280x128xf32, #tpu.memory_space<vmem>>, %arg2: memref<1280x128xf32, #tpu.memory_space<vmem>>, %arg3: memref<128x128xf32, #tpu.memory_space<vmem>>, %arg4: memref<1x128xf32, #tpu.memory_space<vmem>>, %arg5: memref<1280x128xf32, #tpu.memory_space<vmem>>) attributes {dimension_semantics = [#tpu.dimension_semantics<arbitrary>], iteration_bounds = array<i64: 8>, scalar_prefetch = 0 : i64, scratch_operands = 0 : i64, tpu.core_type = #tpu.core_type<tc>, window_params = [{transform_indices = @transform_0, window_bounds = array<i64: 1280, 128>}, {transform_indices = @transform_1, window_bounds = array<i64: 1280, 128>}, {pipeline_mode = #tpu.pipeline_mode<synchronous>, transform_indices = @transform_2, window_bounds = array<i64: 128, 128>}, {pipeline_mode = #tpu.pipeline_mode<synchronous>, transform_indices = @transform_3, window_bounds = array<i64: 1, 128>}, {transform_indices = @transform_4, window_bounds = array<i64: 1280, 128>}]} {
    %get3A = arith.constant 0 : index
    %get3A_0 = arith.constant 0 : index
    %get3A_1 = vector.load %arg1[%get3A, %get3A_0] : memref<1280x128xf32, #tpu.memory_space<vmem>>, vector<1280x128xf32>
    %get3A_2 = arith.constant 0 : index
    %get3A_3 = arith.constant 0 : index
    %get3A_4 = vector.load %arg2[%get3A_2, %get3A_3] : memref<1280x128xf32, #tpu.memory_space<vmem>>, vector<1280x128xf32>
    %add3A = arith.addf %get3A_1, %get3A_4 : vector<1280x128xf32>
    %get3A_5 = arith.constant 0 : index
    %get3A_6 = arith.constant 0 : index
    %get3A_7 = vector.load %arg3[%get3A_5, %get3A_6] : memref<128x128xf32, #tpu.memory_space<vmem>>, vector<128x128xf32>
    %dot_general3A = arith.constant dense<0.000000e+00> : vector<1280x128xf32>
    %dot_general3A_8 = tpu.matmul %add3A, %get3A_7, %dot_general3A {dimension_numbers = #tpu.dot_dimension_numbers<[1], [0], [0], [1], [0, 0, 1, 1], [], []>, transpose_lhs_hint = false} : vector<1280x128xf32>, vector<128x128xf32>, vector<1280x128xf32> -> vector<1280x128xf32>
    %get3A_9 = arith.constant 0 : index
    %get3A_10 = arith.constant 0 : index
    %get3A_11 = vector.load %arg4[%get3A_9, %get3A_10] : memref<1x128xf32, #tpu.memory_space<vmem>>, vector<1x128xf32>
    %add3A_12 = vector.broadcast %get3A_11 : vector<1x128xf32> to vector<1280x128xf32>
    %add3A_13 = arith.addf %dot_general3A_8, %add3A_12 : vector<1280x128xf32>
    %swap3A = arith.constant 0 : index
    %swap3A_14 = arith.constant 0 : index
    %swap3A_15 = vector.load %arg5[%swap3A, %swap3A_14] : memref<1280x128xf32, #tpu.memory_space<vmem>>, vector<1280x128xf32>
    tpu.vector_store %arg5[%swap3A, %swap3A_14], %add3A_13 {strides = array<i32>} : memref<1280x128xf32, #tpu.memory_space<vmem>>, vector<1280x128xf32>,
    return
  }
  func.func @transform_0(%arg0: i32) -> (i32, i32) {
    %c0_i32 = arith.constant 0 : i32
    %c0_i32_0 = arith.constant 0 : i32
    return %arg0, %c0_i32 : i32, i32
  }
  func.func @transform_1(%arg0: i32) -> (i32, i32) {
    %c0_i32 = arith.constant 0 : i32
    %c0_i32_0 = arith.constant 0 : i32
    return %arg0, %c0_i32 : i32, i32
  }
  func.func @transform_2(%arg0: i32) -> (i32, i32) {
    %c0_i32 = arith.constant 0 : i32
    %c0_i32_0 = arith.constant 0 : i32
    %c0_i32_1 = arith.constant 0 : i32
    return %c0_i32, %c0_i32_0 : i32, i32
  }
  func.func @transform_3(%arg0: i32) -> (i32, i32) {
    %c0_i32 = arith.constant 0 : i32
    %c0_i32_0 = arith.constant 0 : i32
    %c0_i32_1 = arith.constant 0 : i32
    return %c0_i32, %c0_i32_0 : i32, i32
  }
  func.func @transform_4(%arg0: i32) -> (i32, i32) {
    %c0_i32 = arith.constant 0 : i32
    %c0_i32_0 = arith.constant 0 : i32
    return %arg0, %c0_i32 : i32, i32
  }
}

</mosaic_0001>

<sc_bundles>
// kernel: kernel.4.cloned.1.call-start
scs
__scs_entry_jumppad:
0x0: {  	(pc) =	sbr.rel $0x88, $3  }
0x1: {  	(tag) =	ssettag $0x0;
	lr =	simm.s32 $0x1  }
0x2: {  	[smem:$0x3F9D] =	sst lr;
	_ =	strace $0xD0000000  }
0x3: {  	_ = 	snop  }
0x4: {  	_ = 	snop  }
0x5: {  	_ = 	snop  }
0x6: {  	_ = 	snop  }
0x7: {  	_ = 	snop  }
__scs_overlays_trampoline_lowered:
0x8: {  	[smem:$0x3FAC] =	sst s0  }
0x9: {  	[smem:$0x3FAD] =	sst s1  }
0xa: {  	[smem:$0x3FAE] =	sst s2  }
0xb: {  	[smem:$0x3FAF] =	sst s3  }
0xc: {  	[smem:$0x3FB0] =	sst s4  }
0xd: {  	[smem:$0x3FB1] =	sst s5  }
0xe: {  	[smem:$0x3FB2] =	sst s6  }
0xf: {  	[smem:$0x3FB3] =	sst s7  }
0x10: {  	[smem:$0x3FB4] =	sst s8  }
0x11: {  	[smem:$0x3FB5] =	sst s9;
	s0 =	simm.s32 @!p0 $0x0  }
0x12: {  	s1 =	sld [smem:$0x3F9B];
	s0 =	simm.s32 @p0 $0x1  }
0x13: {  	[smem:$0x3FB6] =	sst s0;
	s0 =	simm.s32 @!p1 $0x0  }
0x14: {  	s2 =	sld [smem:$0x3F9A];
	s0 =	simm.s32 @p1 $0x1  }
0x15: {  	[smem:$0x3FB7] =	sst s0;
	s0 =	simm.s32 @!p2 $0x0  }
0x16: {  	s3 =	sld [smem:$0x3FDB];
	s0 =	simm.s32 @p2 $0x1  }
0x17: {  	s4 =	simm.s32 $0x1BF5;
	[smem:$0x3FB9] =	sst s0  }
0x18: {  	s0 =	sld [smem:$0x3F9C];
	_ =	swait.ge [sflag:s4], $0x0  }
0x19: {  	s7 =	sld [smem:$0x3F9D]  }
0x1a: {  	s8 =	sadd.s32 $0xFFFFE003, lr  }
0x1b: {  	s9 =	sadd.s32 $0xFFFFFEF7, lr;
	s5 =	simm.s32 $0xFFFFFFFF;
	p2 =	slt.u32 s8, $0xFFFFF086  }
0x1c: {  	p1 =	slt.u32 s9, $0xF7A;
	s5 =	simm.s32 @!p2 $0x0  }
0x1d: {  	s5 =	simm.s32 @p1 $0x1;
	p0 =	seq.s32 s7, s2  }
0x1e: {  	s7 =	smul.u32 @!p0 $0xF7A, s2;
	p2 =	seq.s32 @!p0 s5, $0x0  }
0x1f: {  	s9 =	smul.u32 $0xF7A, s1;
	s8 =	simm.s32 @!p0 $0x1BF5;
	p2 =	por !p2, p0  }
0x20: {  	[sflag:s8] =	ssyncset.s32 @!p0 $0xFFFFF086;
	s6 =	sadd.s32 @!p0 s3, s7;
	s7 =	simm.s32 @!p0 $0x108  }
0x21: {  	s3 =	sadd.s32 s3, s9;
	s6 =	sadd.s32 @!p0 $0x88, s6;
	s7 =	simm.s32 @p2 $0x1082  }
0x22: {  	[simem:s7], [sflag:s8] =	dma.local @!p0 [hbm:s6], $0xF7A  }
0x23: {  	s9 =	sor.u32 $0xD0000000, s2;
	s6 =	simm.s32 $0x108;
	_ =	swait.ge @!p0 [sflag:s8], $0x0  }
0x24: {  	s3 =	sadd.s32 $0x88, s3;
	s6 =	simm.s32 @!p1 $0x1082;
	[sflag:s4] =	ssyncset.s32 $0xFFFFF086  }
0x25: {  	[simem:s6], [sflag:s4] =	dma.local [hbm:s3], $0xF7A  }
0x26: {  	[smem:$0x3F9D] =	sst s1;
	(tag) =	ssettag s2;
	_ =	strace s9  }
0x27: {  	s1 =	sld [smem:$0x3FAD]  }
0x28: {  	s2 =	sld [smem:$0x3FAE]  }
0x29: {  	s4 =	sld [smem:$0x3FB0]  }
0x2a: {  	p0 =	seq.s32 s5, $0x0;
	s5 =	sld [smem:$0x3FB1]  }
0x2b: {  	s6 =	sld [smem:$0x3FB2]  }
0x2c: {  	s7 =	sld [smem:$0x3FB3]  }
0x2d: {  	s3 =	simm.s32 $0x108;
	s8 =	sld [smem:$0x3FB4]  }
0x2e: {  	s3 =	simm.s32 @!p0 $0x1082;
	s9 =	sld [smem:$0x3FB5]  }
0x2f: {  	lr =	sadd.s32 s0, s3;
	s0 =	sld [smem:$0x3FAC]  }
0x30: {  	s3 =	sld [smem:$0x3FAF]  }
0x31: {  	[smem:$0x3FB8] =	sst s10  }
0x32: {  	s10 =	sld [smem:$0x3FB6];
	_ =	sdelay $0x3  }
0x33: {  	p0 =	seq.s32 s10, $0x1;
	s10 =	sld [smem:$0x3FB8];
	_ =	sdelay $0x3  }
0x34: {  	[smem:$0x3FB8] =	sst s10  }
0x35: {  	s10 =	sld [smem:$0x3FB7];
	_ =	sdelay $0x3  }
0x36: {  	p1 =	seq.s32 s10, $0x1;
	s10 =	sld [smem:$0x3FB8];
	_ =	sdelay $0x3  }
0x37: {  	[smem:$0x3FB8] =	sst s10  }
0x38: {  	s10 =	sld [smem:$0x3FB9]  }
0x39: {  	_ = 	snop;
	(pc) =	sbr.ind lr, $3  }
0x3a: {  	_ = 	snop  }
0x3b: {  	_ = 	snop  }
0x3c: {  	p2 =	seq.s32 s10, $0x1;
	s10 =	sld [smem:$0x3FB8]  }
0x3d: {  	_ =	shalt  }
0x3e: {  	_ =	shalt  }
0x3f: {  	_ =	shalt  }
0x40: {  	_ =	shalt  }
0x41: {  	_ =	shalt  }
0x42: {  	_ =	shalt  }
0x43: {  	_ =	shalt  }
0x44: {  	_ =	shalt  }
0x45: {  	_ =	shalt  }
0x46: {  	_ =	shalt  }
0x47: {  	_ =	shalt  }
0x48: {  	_ =	shalt  }
0x49: {  	_ =	shalt  }
0x4a: {  	_ =	shalt  }
0x4b: {  	_ =	shalt  }
0x4c: {  	_ =	shalt  }
0x4d: {  	_ =	shalt  }
0x4e: {  	_ =	shalt  }
0x4f: {  	_ =	shalt  }
0x50: {  	_ =	shalt  }
0x51: {  	_ =	shalt  }
0x52: {  	_ =	shalt  }
0x53: {  	_ =	shalt  }
0x54: {  	_ =	shalt  }
0x55: {  	_ =	shalt  }
0x56: {  	_ =	shalt  }
0x57: {  	_ =	shalt  }
0x58: {  	_ =	shalt  }
0x59: {  	_ =	shalt  }
0x5a: {  	_ =	shalt  }
0x5b: {  	_ =	shalt  }
0x5c: {  	_ =	shalt  }
0x5d: {  	_ =	shalt  }
0x5e: {  	_ =	shalt  }
0x5f: {  	_ =	shalt  }
0x60: {  	_ =	shalt  }
0x61: {  	_ =	shalt  }
0x62: {  	_ =	shalt  }
0x63: {  	_ =	shalt  }
0x64: {  	_ =	shalt  }
0x65: {  	_ =	shalt  }
0x66: {  	_ =	shalt  }
0x67: {  	_ =	shalt  }
0x68: {  	_ =	shalt  }
0x69: {  	_ =	shalt  }
0x6a: {  	_ =	shalt  }
0x6b: {  	_ =	shalt  }
0x6c: {  	_ =	shalt  }
0x6d: {  	_ =	shalt  }
0x6e: {  	_ =	shalt  }
0x6f: {  	_ =	shalt  }
0x70: {  	_ =	shalt  }
0x71: {  	_ =	shalt  }
0x72: {  	_ =	shalt  }
0x73: {  	_ =	shalt  }
0x74: {  	_ =	shalt  }
0x75: {  	_ =	shalt  }
0x76: {  	_ =	shalt  }
0x77: {  	_ =	shalt  }
0x78: {  	_ =	shalt  }
0x79: {  	_ =	shalt  }
0x7a: {  	_ =	shalt  }
0x7b: {  	_ =	shalt  }
0x7c: {  	_ =	shalt  }
0x7d: {  	_ =	shalt  }
0x7e: {  	_ =	shalt  }
0x7f: {  	_ =	shalt  }
0x80: {  	_ =	shalt  }
0x81: {  	_ =	shalt  }
0x82: {  	_ =	shalt  }
0x83: {  	_ =	shalt  }
0x84: {  	_ =	shalt  }
0x85: {  	_ =	shalt  }
0x86: {  	_ =	shalt  }
0x87: {  	_ =	shalt  }
.Lfunc_end0:
.L_simem_size_0:
called_computation_lowered:
.L_overlay_start_0:
0x88: {  	s2 =	sld [smem:$0x3FD9]  }
0x89: {  	s3 =	sld [smem:$0x3FFE];
	_ =	sdelay $0x1  }
0x8a: {  	s1 =	srdreg.scid  }
0x8b: {  	s0 =	sand.u32 $0x1, s1  }
0x8c: {  	s17 =	sshll.u32 s0, $0xA;
	s2 =	sadd.s32 s3, s2  }
0x8d: {  	s2 =	sadd.s32 s2, s17  }
0x8e: {  	[smem:$0x3FC4] =	sst s2  }
0x8f: {  	_ = 	snop  }
0x90: {  	s2 =	sld [smem:$0x3FC9]  }
0x91: {  	s18 =	sld [smem:$0x3FD0];
	(tm) =	ssettm $0x1  }
0x92: {  	s4 =	sld [smem:$0x3FFB];
	_ =	sdelay $0x3  }
0x93: {  	_ =	strace s4  }
0x94: {  	s4 =	sld [smem:$0x3FFC];
	_ =	sdelay $0x3  }
0x95: {  	_ =	strace s4  }
0x96: {  	s4 =	sld [smem:$0x3FFD];
	_ =	sdelay $0x3  }
0x97: {  	_ =	strace s4  }
0x98: {  	_ =	strace $0x8FFFFFFF  }
0x99: {  	s19 =	sld [smem:$0x3FDB];
	_ =	sdelay $0x1  }
0x9a: {  	s5 =	simm.s32 $_scs_section_size  }
0x9b: {  	s6 =	simm.s32 $_size__tile_overlayer_lowered;
	s7 =	simm.s32 $_tile_overlayer_lowered  }
0x9c: {  	s22 =	simm.s32 $0x1BFF;
	s21 =	sshll.u32 s7, $0x1;
	s4 =	sadd.s32 s5, s19  }
0x9d: {  	s8 =	simm.s32 $0x0;
	s20 =	sshll.u32 s6, $0x1;
	s6 =	sadd.s32 s21, s4  }
0x9e: {  	[timem:s8], [sflag:s22] =	dma.local [hbm:s6], s20  }
0x9f: {  	_ =	swait.ge [sflag:s22], s20  }
0xa0: {  	s5 =	ssub.s32 $0x0, s20;
	[sflag:s22] =	ssyncset.done $0x0  }
0xa1: {  	[sflag:s22] =	ssyncadd.s32 s5;
	_ =	sdelay $0x1  }
0xa2: {  	s23 =	simm.s32 $0x1B8B  }
0xa3: {  	_ =	swait.ge [sflag:s23], $0x1  }
0xa4: {  	[sflag:s23] =	ssyncset.done $0x0  }
0xa5: {  	s25 =	simm.s32 $0x1B8E;
	s24 =	sld [smem:$0x3FFE];
	[sflag:s23] =	ssyncadd.s32 $0xFFFFFFFF  }
0xa6: {  	s26 =	simm.s32 $execute0_lowered;
	[smem:$0x3FD2] =	sst s25  }
0xa7: {  	s6 =	sshll.u32 s26, $0x1;
	_ =	strace $0x80000046;
	[dreg:$0x1] =	wrdreg $0xFFFFFFFF  }
0xa8: {  	s28 =	simm.s32 $_size_execute0_lowered;
	s4 =	sadd.s32 s4, s6;
	[dreg:$0x0] =	wrdreg $0x0  }
0xa9: {  	s6 =	sshll.u32 s28, $0x1;
	[dreg:$0x2] =	wrdreg s4  }
0xaa: {  	[dreg:$0x3] =	wrdreg s6  }
0xab: {  	[dreg:$0x4] =	wrdreg $0xC0  }
0xac: {  	_ =	task [dreg:s8], $0x5FFFF  }
0xad: {  	[dreg:$0x1] =	wrdreg $0xFFFFFFFF  }
0xae: {  	[dreg:$0x0] =	wrdreg $0x60  }
0xaf: {  	[dreg:$0x2] =	wrdreg s2  }
0xb0: {  	[dreg:$0x3] =	wrdreg s18  }
0xb1: {  	[dreg:$0x4] =	wrdreg s24  }
0xb2: {  	[dreg:$0x5] =	wrdreg $0xA8000  }
0xb3: {  	[dreg:$0x6] =	wrdreg $0x9  }
0xb4: {  	_ =	task.clear_ibuf [dreg:s8], $0x7FFFF;
	_ =	strace $0x90000046  }
0xb5: {  	s29 =	simm.s32 $0x9;
	_ =	strace $0x80000048  }
0xb6: {  	_ =	swait.ge [sflag:s29], $0x1  }
0xb7: {  	[sflag:s29] =	ssyncadd.s32 $0xFFFFFFFF  }
0xb8: {  	_ =	strace $0x90000048  }
0xb9: {  	_ =	sfence  }
0xba: {  	s30 =	sld [smem:$0x0];
	_ =	sdelay $0x2  }
0xbb: {  	s31 =	sshll.u32 s1, $0xD;
	s1 =	sshrl.u32 s1, $0x2  }
0xbc: {  	s3 =	sand.u32 $0x4000, s31;
	s1 =	sadd.s32 s1, s30  }
0xbd: {  	s0 =	sor.u32 s3, s0;
	s1 =	sshll.u32 s1, $0x11  }
0xbe: {  	s0 =	sor.u32 s1, s0  }
0xbf: {  	s0 =	sadd.s32 $0x8F2B, s0  }
0xc0: {  	[sflag:s0] =	ssyncadd.remote.s32 $0x1  }
0xc1: {  	_ =	sfence.sel $0xFFFF  }
0xc2: {  	[dreg:$0x0] =	wrdreg $0xFFFFFFFF;
	(pc) =	sbr.abs _section_cstart, $3  }
0xc3: {  	[dreg:$0x1] =	wrdreg $0xFFFFFFFF  }
0xc4: {  	_ =	task.clear_ibuf [dreg:s8], $0x2FFFF;
	_ =	strace $0x9FFFFFFF  }
0xc5: {  	(tm) =	ssettm $0x7FFFFFFF  }
tec
execute0_lowered:
.L_overlay_start_1:
0x0: {  	(tag) =	ssettag $0x1  }
0x1: {  	s1 =	rddreg [dreg:$0x0]  }
0x2: {  	s5 =	rddreg [dreg:$0x1]  }
0x3: {  	s6 =	rddreg [dreg:$0x2]  }
0x4: {  	s2 =	rddreg [dreg:$0x3]  }
0x5: {  	s0 =	rddreg [dreg:$0x4];
	s4 =	simm.s32 $0x0;
	s3 =	srdreg.scid  }
0x6: {  	s17 =	simm.s32 $0x2;
	s18 =	simm.s32 $0x4000;
	s19 =	simm.s32 $0x8000  }
0x7: {  	s20 =	simm.s32 $0x50;
	s21 =	simm.s32 $0x1;
	s24 =	simm.s32 $0x0  }
0x8: {  	[smem:$0x7FF] =	sst s4;
	s7 =	sand.u32 $0x1, s3;
	s3 =	stileid.u32  }
0x9: {  	s8 =	smul.u32 $0x140000, s7;
	s9 =	sshll.u32 s3, $0xC;
	s10 =	sshll.u32 s7, $0xB  }
0xa: {  	s11 =	smul.u32 $0x14000, s3;
	_ =	strace $0x80000047;
	s7 =	ssub.s32 $0x2, s7  }
0xb: {  	s29 =	smul.u32 $0x50000, s3;
	s22 =	sshll.u32 s3, $0x6;
	s9 =	sor.u32 s10, s9  }
0xc: {  	s12 =	sshrl.u32 s7, $0x1;
	s22 =	sor.u32 $0x1C02, s22;
	s8 =	sadd.s32 s11, s8  }
0xd: {  	s30 =	sadd.s32 s9, s6;
	s12 =	ssub.s32 s7, s12;
	s31 =	sshrl.u32 s29, $0x2  }
0xe: {  	s5 =	sadd.s32 s5, s9;
	s8 =	sshrl.u32 s8, $0x3;
	s7 =	sadd.s32 s31, s2  }
0xf: {  	s9 =	smax.u32 s12, $0x1;
	s8 =	sadd.s32 s8, s6;
	s6 =	sadd.s32 $0x200, s30  }
0x10: {  	s10 =	sadd.s32 $0x2800, s7;
	s11 =	sadd.s32 $0x5000, s7;
	s12 =	sadd.s32 $0x7800, s7  }
0x11: {  	s13 =	sadd.s32 $0xA000, s7;
	s14 =	sadd.s32 $0xC800, s7;
	s15 =	sadd.s32 $0xF000, s7  }
0x12: {  	v0 =	vimm.f32 $0.0e+00;
	s16 =	sadd.s32 $0x11800, s7;
	s23 =	sshrl.u32 s7, $0x3;
	s8 =	sadd.s32 $0x10200, s8  }
.LBB2_1:
0x13: {  	[tilespmem:s4], [sflag:$0x2] =	stream.linear.gather [hbm4b:s5+s4], $0x3E80, $0x38;
	[tilespmem:$0x1E800] =	vst v63  }
0x14: {  	_ =	swait.ge [sflag:s17], $0x3E80  }
0x15: {  	[sflag:s17] =	ssyncset.done $0x0  }
0x16: {  	[sflag:s17] =	ssyncadd.s32 $0xFFFFC180  }
0x17: {  	[tilespmem:s18], [sflag:$0x2] =	stream.linear.gather [hbm4b:s6+s4], $0x3E80, $0x38;
	[tilespmem:$0x1E800] =	vst v63  }
0x18: {  	_ =	swait.ge [sflag:s17], $0x3E80  }
0x19: {  	[sflag:s17] =	ssyncset.done $0x0  }
0x1a: {  	s25 =	simm.s32 $0x0;
	s26 =	simm.s32 $0x200;
	[sflag:s17] =	ssyncadd.s32 $0xFFFFC180  }
.LBB2_2:
0x1b: {  	p0 =	sne.s32 s26, $0x9E00;
	[tilespmem:s25+$0x8070] =	vst v0  }
0x1c: {  	[tilespmem:s25+$0x8000] =	vst v0  }
0x1d: {  	[tilespmem:s25+$0x8010] =	vst v0  }
.Ltmp0:
0x1e: {  	[tilespmem:s25+$0x8020] =	vst v0;
	(pc) =	sbr.rel @p0 .LBB2_2-.Ltmp0, $4  }
0x1f: {  	[tilespmem:s25+$0x8030] =	vst v0  }
0x20: {  	[tilespmem:s25+$0x8040] =	vst v0  }
0x21: {  	[tilespmem:s25+$0x8050] =	vst v0  }
0x22: {  	[tilespmem:s25+$0x8060] =	vst v0;
	s25 =	sshra.s32 s26, $0x2;
	s26 =	sadd.s32 $0x200, s26  }
0x23: {  	[tilespmem:s25+$0x8070] =	vst v0  }
0x24: {  	[tilespmem:s25+$0x8000] =	vst v0  }
0x25: {  	[tilespmem:s25+$0x8010] =	vst v0  }
0x26: {  	[tilespmem:s25+$0x8020] =	vst v0  }
0x27: {  	[tilespmem:s25+$0x8030] =	vst v0  }
0x28: {  	[tilespmem:s25+$0x8040] =	vst v0  }
0x29: {  	[tilespmem:s25+$0x8050] =	vst v0  }
0x2a: {  	[tilespmem:s25+$0x8060] =	vst v0  }
0x2b: {  	[spmem:s7] =	stream.linear.scatter [tilespmem:s19], [sflag:$0x2], $0x2800, $0x38;
	[tilespmem:$0x1E800] =	vst v63  }
0x2c: {  	_ =	swait.ge [sflag:s17], $0x2800  }
0x2d: {  	[sflag:s17] =	ssyncset.done $0x0  }
0x2e: {  	[sflag:s17] =	ssyncadd.s32 $0xFFFFD800  }
0x2f: {  	[spmem:s10] =	stream.linear.scatter [tilespmem:s19], [sflag:$0x2], $0x2800, $0x38;
	[tilespmem:$0x1E800] =	vst v63  }
0x30: {  	_ =	swait.ge [sflag:s17], $0x2800  }
0x31: {  	[sflag:s17] =	ssyncset.done $0x0  }
0x32: {  	[sflag:s17] =	ssyncadd.s32 $0xFFFFD800  }
0x33: {  	[spmem:s11] =	stream.linear.scatter [tilespmem:s19], [sflag:$0x2], $0x2800, $0x38;
	[tilespmem:$0x1E800] =	vst v63  }
0x34: {  	_ =	swait.ge [sflag:s17], $0x2800  }
0x35: {  	[sflag:s17] =	ssyncset.done $0x0  }
0x36: {  	[sflag:s17] =	ssyncadd.s32 $0xFFFFD800  }
0x37: {  	[spmem:s12] =	stream.linear.scatter [tilespmem:s19], [sflag:$0x2], $0x2800, $0x38;
	[tilespmem:$0x1E800] =	vst v63  }
0x38: {  	_ =	swait.ge [sflag:s17], $0x2800  }
0x39: {  	[sflag:s17] =	ssyncset.done $0x0  }
0x3a: {  	[sflag:s17] =	ssyncadd.s32 $0xFFFFD800  }
0x3b: {  	[spmem:s13] =	stream.linear.scatter [tilespmem:s19], [sflag:$0x2], $0x2800, $0x38;
	[tilespmem:$0x1E800] =	vst v63  }
0x3c: {  	_ =	swait.ge [sflag:s17], $0x2800  }
0x3d: {  	[sflag:s17] =	ssyncset.done $0x0  }
0x3e: {  	[sflag:s17] =	ssyncadd.s32 $0xFFFFD800  }
0x3f: {  	[spmem:s14] =	stream.linear.scatter [tilespmem:s19], [sflag:$0x2], $0x2800, $0x38;
	[tilespmem:$0x1E800] =	vst v63  }
0x40: {  	_ =	swait.ge [sflag:s17], $0x2800  }
0x41: {  	[sflag:s17] =	ssyncset.done $0x0  }
0x42: {  	[sflag:s17] =	ssyncadd.s32 $0xFFFFD800  }
0x43: {  	[spmem:s15] =	stream.linear.scatter [tilespmem:s19], [sflag:$0x2], $0x2800, $0x38;
	[tilespmem:$0x1E800] =	vst v63  }
0x44: {  	_ =	swait.ge [sflag:s17], $0x2800  }
0x45: {  	[sflag:s17] =	ssyncset.done $0x0  }
0x46: {  	[sflag:s17] =	ssyncadd.s32 $0xFFFFD800  }
0x47: {  	[spmem:s16] =	stream.linear.scatter [tilespmem:s19], [sflag:$0x2], $0x2800, $0x38;
	[tilespmem:$0x1E800] =	vst v63  }
0x48: {  	_ =	swait.ge [sflag:s17], $0x2800  }
0x49: {  	[sflag:s17] =	ssyncset.done $0x0  }
0x4a: {  	[sflag:s17] =	ssyncadd.s32 $0xFFFFD800  }
0x4b: {  	s30 =	simm.s32 $0x0;
	[bflag:$0x0] =	sbarrier.arrive $0xFFFF  }
0x4c: {  	[tilespmem:s19], [sflag:$0x1] =	stream.indirect.gather [hbm4b:s1+s20], $0x80, s30, s20, $0xb8;
	[tilespmem:$0x1E800] =	vst v63  }
0x4d: {  	_ =	swait.ge [sflag:s21], $0x2800  }
0x4e: {  	[sflag:s21] =	ssyncset.done $0x0  }
0x4f: {  	s31 =	simm.s32 $0x4000;
	[sflag:s21] =	ssyncadd.s32 $0xFFFFD800  }
0x50: {  	[spmem:s2] =	stream.indirect.scatter.add.f32 [tilespmem:s19], [sflag:$0x2], $0x80, s31, s20, $0xb8;
	[tilespmem:$0x1E800] =	vst v63  }
0x51: {  	_ =	swait.ge [sflag:s17], $0x2800  }
0x52: {  	s25 =	simm.s32 $0x200;
	s26 =	simm.s32 $0x400;
	[sflag:s17] =	ssyncset.done $0x0  }
.LBB2_4:
0x53: {  	s28 =	sshra.s32 s25, $0x2  }
0x54: {  	[sflag:s17] =	ssyncadd.s32 $0xFFFFD800;
	s25 =	smov.u32 s26;
	s29 =	sadd.s32 $0x200, s26  }
0x55: {  	[tilespmem:s19], [sflag:$0x1] =	stream.indirect.gather [hbm4b:s1+s20], $0x80, s28, s20, $0xb8;
	[tilespmem:$0x1E800] =	vst v63  }
0x56: {  	p0 =	sne.s32 s26, $0xF800;
	_ =	swait.ge [sflag:s21], $0x2800  }
.Ltmp1:
0x57: {  	[sflag:s21] =	ssyncset.done $0x0;
	(pc) =	sbr.rel @p0 .LBB2_4-.Ltmp1, $4  }
0x58: {  	s26 =	sadd.s32 $0x4000, s28;
	[sflag:s21] =	ssyncadd.s32 $0xFFFFD800  }
0x59: {  	[spmem:s2] =	stream.indirect.scatter.add.f32 [tilespmem:s19], [sflag:$0x2], $0x80, s26, s20, $0xb8;
	[tilespmem:$0x1E800] =	vst v63  }
0x5a: {  	_ =	swait.ge [sflag:s17], $0x2800  }
0x5b: {  	s26 =	smov.u32 s29;
	[sflag:s17] =	ssyncset.done $0x0  }
0x5c: {  	s25 =	sshra.s32 s25, $0x2;
	[sflag:s17] =	ssyncadd.s32 $0xFFFFD800  }
0x5d: {  	[tilespmem:s19], [sflag:$0x1] =	stream.indirect.gather [hbm4b:s1+s20], $0x80, s25, s20, $0xb8;
	[tilespmem:$0x1E800] =	vst v63  }
0x5e: {  	_ =	swait.ge [sflag:s21], $0x2800  }
0x5f: {  	[sflag:s21] =	ssyncset.done $0x0  }
0x60: {  	s25 =	sadd.s32 $0x4000, s25;
	[sflag:s21] =	ssyncadd.s32 $0xFFFFD800  }
0x61: {  	[spmem:s2] =	stream.indirect.scatter.add.f32 [tilespmem:s19], [sflag:$0x2], $0x80, s25, s20, $0xb8;
	[tilespmem:$0x1E800] =	vst v63  }
0x62: {  	_ =	swait.ge [sflag:s17], $0x2800  }
0x63: {  	s24 =	sadd.s32 $0x1, s24;
	[sflag:s17] =	ssyncset.done $0x0  }
0x64: {  	p0 =	sne.s32 s24, s9;
	[sflag:s17] =	ssyncadd.s32 $0xFFFFD800  }
.Ltmp2:
0x65: {  	[bflag:$0x0] =	sbarrier.arrive $0xFFFF;
	(pc) =	sbr.rel @p0 .LBB2_1-.Ltmp2, $4  }
0x66: {  	[hbm:s8], [sflag:s22] =	dma.local [spmem:s23], $0x2800  }
0x67: {  	_ =	swait.ge [sflag:s17], $0x2800  }
0x68: {  	[sflag:s17] =	ssyncset.done $0x0  }
0x69: {  	[sflag:s17] =	ssyncadd.s32 $0xFFFFD800  }
0x6a: {  	_ =	sfence.sel $0x180000  }
0x6b: {  	[bflag:$0x0] =	sbarrier.arrive $0xFFFF  }
0x6c: {  	p0 =	sne.s32 s3, $0x0;
	_ =	strace $0x90000047  }
0x6d: {  	s0 =	sadd.s32 @!p0 $0x100000, s0;
	[bflag:$0x2] =	sbarrier.arrive $0xFFFF  }
0x6e: {  	[sflag:s0] =	ssyncadd.tile.s32 @!p0 $0x1;
	_ =	shalt  }
.Lfunc_end2:
_tile_overlayer_lowered:
.L_overlay_start_2:
0x6f: {  	(tag) =	ssettag $0x2  }
0x70: {  	s0 =	rddreg [dreg:$0x0];
	s2 =	stileid.u32  }
0x71: {  	s1 =	rddreg [dreg:$0x1];
	p0 =	sne.s32 s2, $0x0  }
0x72: {  	s3 =	rddreg [dreg:$0x2];
	[bflag:$0x3] =	sbarrier.arrive $0xFFFF;
	s2 =	simm.s32 @!p0 $0x1C02  }
0x73: {  	[timem:s3], [sflag:s2] =	dma.local @!p0 [hbm:s0], s1  }
0x74: {  	s0 =	simm.s32 @!p0 $0x2  }
0x75: {  	_ =	swait.ge @!p0 [sflag:s0], s1  }
0x76: {  	s1 =	ssub.s32 @!p0 $0x0, s1;
	[sflag:s0] =	ssyncset.done @!p0 $0x0  }
0x77: {  	[sflag:s0] =	ssyncadd.s32 @!p0 s1  }
0x78: {  	[bflag:$0x3] =	sbarrier.arrive $0xFFFF  }
0x79: {  	_ =	shalt  }

</sc_bundles>
